<compile_context>
chip_gen: v7x
topology: tpu7x:2x2x1
jax: 0.10.2.dev20260603
libtpu: 0.0.44.dev20260713+nightly
codegen_flags: <defaults>
</compile_context>

<pallas_src>
import functools

import jax
import jax.numpy as jnp
from jax import lax
from jax.experimental import pallas as pl
from jax.experimental.pallas import tpu as pltpu
from jax.experimental.pallas import tpu_sc as plsc


@functools.lru_cache(maxsize=None)
def _build_hist_kernel(e, n, n_pad, nc, ns):
    mesh = plsc.VectorSubcoreMesh(core_axis_name="c", subcore_axis_name="s",
                                  num_cores=nc, num_subcores=ns)
    nw = nc * ns
    chunk = n_pad // ns
    ew = 8 * (e // (nw * 8))
    tail = e - nw * ew
    ew16 = -16 * (-ew // 16)
    cut = n - (ns - 1) * chunk
    padlen = chunk - cut
    assert tail % 16 == 0 and chunk % 16 == 0
    assert 0 < cut <= chunk and cut % 8 == 0

    scratch = [
        pltpu.VMEM((ew,), jnp.int32),
        pltpu.VMEM((ew16,), jnp.float32),
        pltpu.VMEM((chunk,), jnp.float32),
        pltpu.VMEM_SHARED((n_pad,), jnp.float32),
        pltpu.SemaphoreType.DMA,
    ]
    if tail:
        scratch.append(pltpu.VMEM((tail,), jnp.int32))

    @functools.partial(
        pl.kernel,
        out_type=(jax.ShapeDtypeStruct((nc * n,), jnp.float32),
                  jax.ShapeDtypeStruct((nc * padlen,), jnp.float32)),
        mesh=mesh,
        scratch_types=scratch,
    )
    def hist_kernel(idx_hbm, out_hbm, pad_hbm, idx_v, ones_v, hbuf_v,
                    hist_sh, idx_sem, *tail_v):
        c = lax.axis_index("c")
        s = lax.axis_index("s")
        wid = s * nc + c

        idx_cp = pltpu.async_copy(idx_hbm.at[pl.ds(wid * ew, ew)], idx_v,
                                  idx_sem)

        def obody(i, carry):
            ones_v[pl.ds(i * 16, 16)] = jnp.ones((16,), jnp.float32)
            return carry

        lax.fori_loop(0, ew16 // 16, obody, jnp.int32(0))

        def zbody(i, carry):
            hbuf_v[pl.ds(i * 16, 16)] = jnp.zeros((16,), jnp.float32)
            return carry

        lax.fori_loop(0, chunk // 16, zbody, jnp.int32(0))
        pltpu.sync_copy(hbuf_v, hist_sh.at[pl.ds(s * chunk, chunk)])

        plsc.subcore_barrier()
        idx_cp.wait()

        pltpu.sync_copy(ones_v.at[pl.ds(0, ew)], hist_sh.at[idx_v],
                        add=True)

        if tail:
            @pl.when(wid == nw - 1)
            def _():
                pltpu.sync_copy(idx_hbm.at[pl.ds(nw * ew, tail)], tail_v[0])
                pltpu.sync_copy(ones_v.at[pl.ds(0, tail)],
                                hist_sh.at[tail_v[0]], add=True)

        plsc.subcore_barrier()

        pltpu.sync_copy(hist_sh.at[pl.ds(s * chunk, chunk)], hbuf_v)

        @pl.when(s < ns - 1)
        def _():
            pltpu.sync_copy(hbuf_v, out_hbm.at[pl.ds(c * n + s * chunk,
                                                     chunk)])

        @pl.when(s == ns - 1)
        def _():
            pltpu.sync_copy(hbuf_v.at[pl.ds(0, cut)],
                            out_hbm.at[pl.ds(c * n + (ns - 1) * chunk, cut)])
            if padlen:
                pltpu.sync_copy(hbuf_v.at[pl.ds(cut, padlen)],
                                pad_hbm.at[pl.ds(c * padlen, padlen)])

    return hist_kernel


def _matvec_body(nk, kb8, inv_e, w0_ref, w1_ref, f_ref, o_ref):
    k = pl.program_id(0)

    @pl.when(k == 0)
    def _():
        o_ref[...] = jnp.zeros_like(o_ref)

    w = w0_ref[0, 0] + w1_ref[0, 0]
    acc = o_ref[...]
    for r in range(8):
        acc += jnp.dot(w[r:r + 1], f_ref[pl.ds(r * kb8, kb8), :],
                       preferred_element_type=jnp.float32)
    o_ref[...] = acc

    @pl.when(k == nk - 1)
    def _():
        o_ref[...] = o_ref[...] * inv_e


def kernel(u, neighs, features):
    del u
    e = neighs.shape[0]
    n, d = features.shape

    info = plsc.get_sparse_core_info()
    nc, ns = info.num_cores, info.num_subcores
    n_pad = ns * 128 * (-(-n // (ns * 128)))
    hist, _ = _build_hist_kernel(e, n, n_pad, nc, ns)(
        neighs.astype(jnp.int32))

    kb = next(b for b in (20000, 10000, 5000, 4000, 2500, 2000, 1000, 500, 8)
              if n % b == 0 and b % 8 == 0)
    nk = n // kb
    kb8 = kb // 8
    w = hist.reshape(nc, nk, 8, kb8)
    out = pl.pallas_call(
        functools.partial(_matvec_body, nk, kb8, 1.0 / e),
        grid=(nk,),
        in_specs=[
            pl.BlockSpec((1, 1, 8, kb8), lambda k: (0, k, 0, 0)),
            pl.BlockSpec((1, 1, 8, kb8), lambda k: (1, k, 0, 0)),
            pl.BlockSpec((kb, d), lambda k: (k, 0)),
        ],
        out_specs=pl.BlockSpec((1, d), lambda k: (0, 0)),
        out_shape=jax.ShapeDtypeStruct((1, d), jnp.float32),
    )(w, w, features)
    return out.reshape(d)

# --- scband reference (transcript-rebuilt; emitter-appended) ---
"""Pipeline reference for scband-aggregator-16707422781624 (READ-ONLY COPY).

The authoritative reference and input builder live on the scoring server;
editing this copy changes nothing except your own understanding.
"""

import jax, jax.numpy as jnp
import numpy as np


def setup_inputs(seed: int = 0) -> dict:
    key = jax.random.key(seed)
    k1, k2 = jax.random.split(key)
    u = 0  # node id, unused in the mean-aggregation math
    neighs = jax.random.randint(k1, (500000,), 0, 100000, dtype=jnp.int64)
    features = jax.random.normal(k2, (100000, 128), dtype=jnp.float32)
    return {"u": u, "neighs": neighs, "features": features}


def reference(u, neighs, features):
    # features acts as the features_map lookup table (Dict[int, Tensor] -> [N, d] table).
    # torch.stack([features_map[v] for v in neighs]) -> gather rows
    neighs_features = jnp.take(features, neighs, axis=0)  # [E, d]
    # agg_method == 'mean'
    h = jnp.mean(neighs_features, axis=0)  # [d]
    return h

if __name__ == "__main__":
    import jax
    _d = setup_inputs()
    print(jax.jit(kernel)(*tuple(_d.values())))

</pallas_src>

<mosaic_0001>
#map = affine_map<(d0, d1) -> (0)>
module attributes {stable_mosaic.version = 14 : i64} {
  func.func @hist_kernel(%arg0: i32, %arg1: i32, %arg2: memref<500000xi32, #tpu.memory_space<hbm>>, %arg3: memref<200000xf32, #tpu.memory_space<hbm>>, %arg4: memref<704xf32, #tpu.memory_space<hbm>>, %arg5: memref<15624xi32, #tpu.memory_space<vmem>>, %arg6: memref<15632xf32, #tpu.memory_space<vmem>>, %arg7: memref<6272xf32, #tpu.memory_space<vmem>>, %arg8: memref<100352xf32, #tpu.memory_space<vmem_shared>>, %arg9: memref<!tpu.dma_semaphore, #tpu.memory_space<semaphore_mem>>, %arg10: memref<32xi32, #tpu.memory_space<vmem>>) attributes {dimension_semantics = [#tpu.dimension_semantics<core_parallel>, #tpu.dimension_semantics<subcore_parallel>], iteration_bounds = array<i64: 2, 16>, scalar_prefetch = 0 : i64, scratch_operands = 6 : i64, tpu.core_type = #tpu.core_type<sc_vector_subcore>, window_params = [{transform_indices = #map}, {transform_indices = #map}, {transform_indices = #map}]} {
    %mul3A = arith.constant 2 : i32
    %mul3A_0 = arith.muli %arg1, %mul3A : i32
    %add3A = arith.addi %mul3A_0, %arg0 : i32
    %mul3A_1 = arith.constant 15624 : i32
    %mul3A_2 = arith.muli %add3A, %mul3A_1 : i32
    %dma_start3A = tpu.memref_slice %arg2[%mul3A_2] : memref<500000xi32, #tpu.memory_space<hbm>> -> memref<15624xi32, #tpu.memory_space<hbm>>
    %dma_start3A_3 = tpu.memref_slice %arg2[%mul3A_2] : memref<500000xi32, #tpu.memory_space<hbm>> -> memref<15624xi32, #tpu.memory_space<hbm>>
    tpu.enqueue_dma source(%dma_start3A_3 : memref<15624xi32, #tpu.memory_space<hbm>>) target(%arg5 : memref<15624xi32, #tpu.memory_space<vmem>>) target_semaphore(%arg9 : memref<!tpu.dma_semaphore, #tpu.memory_space<semaphore_mem>>)
    %scan3A = arith.constant 0 : i32
    %scan3A_4 = arith.constant 0 : i32
    %scan3A_5 = arith.constant 977 : i32
    %scan3A_6 = arith.addi %scan3A_4, %scan3A_5 : i32
    %scan3A_7 = arith.constant 1 : i32
    scf.for %scan3A_32 = %scan3A_4 to %scan3A_6 step %scan3A_7  : i32 {
      %broadcast_in_dim3A = arith.constant 1.000000e+00 : f32
      %broadcast_in_dim3A_33 = vector.broadcast %broadcast_in_dim3A : f32 to vector<16xf32>
      %mul3A_34 = arith.constant 16 : i32
      %mul3A_35 = arith.muli %scan3A_32, %mul3A_34 : i32
      %swap3A = arith.index_cast %mul3A_35 : i32 to index
      %swap3A_36 = tpu.vector_load %arg6[%swap3A] {strides = array<i32>} : memref<15632xf32, #tpu.memory_space<vmem>>, vector<16xf32>,
      %swap3A_37 = vector.shape_cast %swap3A_36 : vector<16xf32> to vector<16xf32>
      %swap3A_38 = vector.shape_cast %broadcast_in_dim3A_33 : vector<16xf32> to vector<16xf32>
      tpu.vector_store %arg6[%swap3A], %swap3A_38 {strides = array<i32>} : memref<15632xf32, #tpu.memory_space<vmem>>, vector<16xf32>,
    }
    %scan3A_8 = arith.constant 977 : i32
    %scan3A_9 = arith.constant 0 : i32
    %scan3A_10 = arith.constant 0 : i32
    %scan3A_11 = arith.constant 392 : i32
    %scan3A_12 = arith.addi %scan3A_10, %scan3A_11 : i32
    %scan3A_13 = arith.constant 1 : i32
    scf.for %scan3A_32 = %scan3A_10 to %scan3A_12 step %scan3A_13  : i32 {
      %broadcast_in_dim3A = arith.constant 0.000000e+00 : f32
      %broadcast_in_dim3A_33 = vector.broadcast %broadcast_in_dim3A : f32 to vector<16xf32>
      %mul3A_34 = arith.constant 16 : i32
      %mul3A_35 = arith.muli %scan3A_32, %mul3A_34 : i32
      %swap3A = arith.index_cast %mul3A_35 : i32 to index
      %swap3A_36 = tpu.vector_load %arg7[%swap3A] {strides = array<i32>} : memref<6272xf32, #tpu.memory_space<vmem>>, vector<16xf32>,
      %swap3A_37 = vector.shape_cast %swap3A_36 : vector<16xf32> to vector<16xf32>
      %swap3A_38 = vector.shape_cast %broadcast_in_dim3A_33 : vector<16xf32> to vector<16xf32>
      tpu.vector_store %arg7[%swap3A], %swap3A_38 {strides = array<i32>} : memref<6272xf32, #tpu.memory_space<vmem>>, vector<16xf32>,
    }
    %scan3A_14 = arith.constant 392 : i32
    %mul3A_15 = arith.constant 6272 : i32
    %mul3A_16 = arith.muli %arg1, %mul3A_15 : i32
    "tpu.region"() ({
      %run_scoped3A = tpu.sem_alloc : memref<!tpu.dma_semaphore, #tpu.memory_space<semaphore_mem>>
      %dma_start3A_32 = tpu.memref_slice %arg8[%mul3A_16] : memref<100352xf32, #tpu.memory_space<vmem_shared>> -> memref<6272xf32, #tpu.memory_space<vmem_shared>>
      %dma_start3A_33 = tpu.memref_slice %arg8[%mul3A_16] : memref<100352xf32, #tpu.memory_space<vmem_shared>> -> memref<6272xf32, #tpu.memory_space<vmem_shared>>
      tpu.enqueue_dma source(%arg7 : memref<6272xf32, #tpu.memory_space<vmem>>) target(%dma_start3A_33 : memref<6272xf32, #tpu.memory_space<vmem_shared>>) target_semaphore(%run_scoped3A : memref<!tpu.dma_semaphore, #tpu.memory_space<semaphore_mem>>)
      %dma_wait3A_34 = tpu.memref_slice %arg8[%mul3A_16] : memref<100352xf32, #tpu.memory_space<vmem_shared>> -> memref<6272xf32, #tpu.memory_space<vmem_shared>>
      %dma_wait3A_35 = tpu.memref_slice %arg8[%mul3A_16] : memref<100352xf32, #tpu.memory_space<vmem_shared>> -> memref<6272xf32, #tpu.memory_space<vmem_shared>>
      tpu.wait_dma2 semaphore(%run_scoped3A : memref<!tpu.dma_semaphore, #tpu.memory_space<semaphore_mem>>) src(%arg7 : memref<6272xf32, #tpu.memory_space<vmem>>) dst(%dma_wait3A_35 : memref<6272xf32, #tpu.memory_space<vmem_shared>>)
      tpu.yield
    }) : () -> ()
    %barrier3A = arith.constant 0 : index
    tpu.barrier barrier_id(%barrier3A)
    %dma_wait3A = tpu.memref_slice %arg2[%mul3A_2] : memref<500000xi32, #tpu.memory_space<hbm>> -> memref<15624xi32, #tpu.memory_space<hbm>>
    %dma_wait3A_17 = tpu.memref_slice %arg2[%mul3A_2] : memref<500000xi32, #tpu.memory_space<hbm>> -> memref<15624xi32, #tpu.memory_space<hbm>>
    tpu.wait_dma2 semaphore(%arg9 : memref<!tpu.dma_semaphore, #tpu.memory_space<semaphore_mem>>) src(%dma_wait3A_17 : memref<15624xi32, #tpu.memory_space<hbm>>) dst(%arg5 : memref<15624xi32, #tpu.memory_space<vmem>>)
    "tpu.region"() ({
      %run_scoped3A = tpu.sem_alloc : memref<!tpu.dma_semaphore, #tpu.memory_space<semaphore_mem>>
      %dma_start3A_32 = arith.constant 0 : i32
      %dma_start3A_33 = tpu.memref_slice %arg6[%dma_start3A_32] : memref<15632xf32, #tpu.memory_space<vmem>> -> memref<15624xf32, #tpu.memory_space<vmem>>
      %dma_start3A_34 = arith.constant 0 : i32
      %dma_start3A_35 = tpu.memref_slice %arg8[%dma_start3A_34] : memref<100352xf32, #tpu.memory_space<vmem_shared>> -> memref<100352xf32, #tpu.memory_space<vmem_shared>>
      tpu.enqueue_indirect_dma source(%dma_start3A_33 : memref<15624xf32, #tpu.memory_space<vmem>>) target(%dma_start3A_35 : memref<100352xf32, #tpu.memory_space<vmem_shared>>) offsets(%arg5 : memref<15624xi32, #tpu.memory_space<vmem>>) semaphore(%run_scoped3A : memref<!tpu.dma_semaphore, #tpu.memory_space<semaphore_mem>>) {add = true}
      %dma_wait3A_36 = arith.constant 0 : i32
      %dma_wait3A_37 = tpu.memref_slice %arg6[%dma_wait3A_36] : memref<15632xf32, #tpu.memory_space<vmem>> -> memref<15624xf32, #tpu.memory_space<vmem>>
      %dma_wait3A_38 = arith.constant 0 : i32
      %dma_wait3A_39 = tpu.memref_slice %arg8[%dma_wait3A_38] : memref<100352xf32, #tpu.memory_space<vmem_shared>> -> memref<100352xf32, #tpu.memory_space<vmem_shared>>
      tpu.wait_indirect_dma semaphore(%run_scoped3A : memref<!tpu.dma_semaphore, #tpu.memory_space<semaphore_mem>>) src(%dma_wait3A_37 : memref<15624xf32, #tpu.memory_space<vmem>>) dst(%dma_wait3A_39 : memref<100352xf32, #tpu.memory_space<vmem_shared>>)
      tpu.yield
    }) : () -> ()
    %eq3A = arith.constant 31 : i32
    %eq3A_18 = arith.cmpi eq, %add3A, %eq3A : i32
    %convert_element_type3A = arith.extui %eq3A_18 : i1 to i32
    %cond3A = arith.constant 0 : i32
    %cond3A_19 = arith.cmpi ne, %convert_element_type3A, %cond3A : i32
    scf.if %cond3A_19 {
      "tpu.region"() ({
        %run_scoped3A = tpu.sem_alloc : memref<!tpu.dma_semaphore, #tpu.memory_space<semaphore_mem>>
        %dma_start3A_32 = arith.constant 499968 : i32
        %dma_start3A_33 = tpu.memref_slice %arg2[%dma_start3A_32] : memref<500000xi32, #tpu.memory_space<hbm>> -> memref<32xi32, #tpu.memory_space<hbm>>
        %dma_start3A_34 = arith.constant 499968 : i32
        %dma_start3A_35 = tpu.memref_slice %arg2[%dma_start3A_34] : memref<500000xi32, #tpu.memory_space<hbm>> -> memref<32xi32, #tpu.memory_space<hbm>>
        tpu.enqueue_dma source(%dma_start3A_35 : memref<32xi32, #tpu.memory_space<hbm>>) target(%arg10 : memref<32xi32, #tpu.memory_space<vmem>>) target_semaphore(%run_scoped3A : memref<!tpu.dma_semaphore, #tpu.memory_space<semaphore_mem>>)
        %dma_wait3A_36 = arith.constant 499968 : i32
        %dma_wait3A_37 = tpu.memref_slice %arg2[%dma_wait3A_36] : memref<500000xi32, #tpu.memory_space<hbm>> -> memref<32xi32, #tpu.memory_space<hbm>>
        %dma_wait3A_38 = arith.constant 499968 : i32
        %dma_wait3A_39 = tpu.memref_slice %arg2[%dma_wait3A_38] : memref<500000xi32, #tpu.memory_space<hbm>> -> memref<32xi32, #tpu.memory_space<hbm>>
        tpu.wait_dma2 semaphore(%run_scoped3A : memref<!tpu.dma_semaphore, #tpu.memory_space<semaphore_mem>>) src(%dma_wait3A_39 : memref<32xi32, #tpu.memory_space<hbm>>) dst(%arg10 : memref<32xi32, #tpu.memory_space<vmem>>)
        tpu.yield
      }) : () -> ()
      "tpu.region"() ({
        %run_scoped3A = tpu.sem_alloc : memref<!tpu.dma_semaphore, #tpu.memory_space<semaphore_mem>>
        %dma_start3A_32 = arith.constant 0 : i32
        %dma_start3A_33 = tpu.memref_slice %arg6[%dma_start3A_32] : memref<15632xf32, #tpu.memory_space<vmem>> -> memref<32xf32, #tpu.memory_space<vmem>>
        %dma_start3A_34 = arith.constant 0 : i32
        %dma_start3A_35 = tpu.memref_slice %arg8[%dma_start3A_34] : memref<100352xf32, #tpu.memory_space<vmem_shared>> -> memref<100352xf32, #tpu.memory_space<vmem_shared>>
        tpu.enqueue_indirect_dma source(%dma_start3A_33 : memref<32xf32, #tpu.memory_space<vmem>>) target(%dma_start3A_35 : memref<100352xf32, #tpu.memory_space<vmem_shared>>) offsets(%arg10 : memref<32xi32, #tpu.memory_space<vmem>>) semaphore(%run_scoped3A : memref<!tpu.dma_semaphore, #tpu.memory_space<semaphore_mem>>) {add = true}
        %dma_wait3A_36 = arith.constant 0 : i32
        %dma_wait3A_37 = tpu.memref_slice %arg6[%dma_wait3A_36] : memref<15632xf32, #tpu.memory_space<vmem>> -> memref<32xf32, #tpu.memory_space<vmem>>
        %dma_wait3A_38 = arith.constant 0 : i32
        %dma_wait3A_39 = tpu.memref_slice %arg8[%dma_wait3A_38] : memref<100352xf32, #tpu.memory_space<vmem_shared>> -> memref<100352xf32, #tpu.memory_space<vmem_shared>>
        tpu.wait_indirect_dma semaphore(%run_scoped3A : memref<!tpu.dma_semaphore, #tpu.memory_space<semaphore_mem>>) src(%dma_wait3A_37 : memref<32xf32, #tpu.memory_space<vmem>>) dst(%dma_wait3A_39 : memref<100352xf32, #tpu.memory_space<vmem_shared>>)
        tpu.yield
      }) : () -> ()
    } else {
    }
    %barrier3A_20 = arith.constant 0 : index
    tpu.barrier barrier_id(%barrier3A_20)
    %mul3A_21 = arith.constant 6272 : i32
    %mul3A_22 = arith.muli %arg1, %mul3A_21 : i32
    "tpu.region"() ({
      %run_scoped3A = tpu.sem_alloc : memref<!tpu.dma_semaphore, #tpu.memory_space<semaphore_mem>>
      %dma_start3A_32 = tpu.memref_slice %arg8[%mul3A_22] : memref<100352xf32, #tpu.memory_space<vmem_shared>> -> memref<6272xf32, #tpu.memory_space<vmem_shared>>
      %dma_start3A_33 = tpu.memref_slice %arg8[%mul3A_22] : memref<100352xf32, #tpu.memory_space<vmem_shared>> -> memref<6272xf32, #tpu.memory_space<vmem_shared>>
      tpu.enqueue_dma source(%dma_start3A_33 : memref<6272xf32, #tpu.memory_space<vmem_shared>>) target(%arg7 : memref<6272xf32, #tpu.memory_space<vmem>>) target_semaphore(%run_scoped3A : memref<!tpu.dma_semaphore, #tpu.memory_space<semaphore_mem>>)
      %dma_wait3A_34 = tpu.memref_slice %arg8[%mul3A_22] : memref<100352xf32, #tpu.memory_space<vmem_shared>> -> memref<6272xf32, #tpu.memory_space<vmem_shared>>
      %dma_wait3A_35 = tpu.memref_slice %arg8[%mul3A_22] : memref<100352xf32, #tpu.memory_space<vmem_shared>> -> memref<6272xf32, #tpu.memory_space<vmem_shared>>
      tpu.wait_dma2 semaphore(%run_scoped3A : memref<!tpu.dma_semaphore, #tpu.memory_space<semaphore_mem>>) src(%dma_wait3A_35 : memref<6272xf32, #tpu.memory_space<vmem_shared>>) dst(%arg7 : memref<6272xf32, #tpu.memory_space<vmem>>)
      tpu.yield
    }) : () -> ()
    %lt3A = arith.constant 15 : i32
    %lt3A_23 = arith.cmpi slt, %arg1, %lt3A : i32
    %convert_element_type3A_24 = arith.extui %lt3A_23 : i1 to i32
    %cond3A_25 = arith.constant 0 : i32
    %cond3A_26 = arith.cmpi ne, %convert_element_type3A_24, %cond3A_25 : i32
    scf.if %cond3A_26 {
      %mul3A_32 = arith.constant 100000 : i32
      %mul3A_33 = arith.muli %arg0, %mul3A_32 : i32
      %mul3A_34 = arith.constant 6272 : i32
      %mul3A_35 = arith.muli %arg1, %mul3A_34 : i32
      %add3A_36 = arith.addi %mul3A_33, %mul3A_35 : i32
      "tpu.region"() ({
        %run_scoped3A = tpu.sem_alloc : memref<!tpu.dma_semaphore, #tpu.memory_space<semaphore_mem>>
        %dma_start3A_37 = tpu.memref_slice %arg3[%add3A_36] : memref<200000xf32, #tpu.memory_space<hbm>> -> memref<6272xf32, #tpu.memory_space<hbm>>
        %dma_start3A_38 = tpu.memref_slice %arg3[%add3A_36] : memref<200000xf32, #tpu.memory_space<hbm>> -> memref<6272xf32, #tpu.memory_space<hbm>>
        tpu.enqueue_dma source(%arg7 : memref<6272xf32, #tpu.memory_space<vmem>>) target(%dma_start3A_38 : memref<6272xf32, #tpu.memory_space<hbm>>) target_semaphore(%run_scoped3A : memref<!tpu.dma_semaphore, #tpu.memory_space<semaphore_mem>>)
        %dma_wait3A_39 = tpu.memref_slice %arg3[%add3A_36] : memref<200000xf32, #tpu.memory_space<hbm>> -> memref<6272xf32, #tpu.memory_space<hbm>>
        %dma_wait3A_40 = tpu.memref_slice %arg3[%add3A_36] : memref<200000xf32, #tpu.memory_space<hbm>> -> memref<6272xf32, #tpu.memory_space<hbm>>
        tpu.wait_dma2 semaphore(%run_scoped3A : memref<!tpu.dma_semaphore, #tpu.memory_space<semaphore_mem>>) src(%arg7 : memref<6272xf32, #tpu.memory_space<vmem>>) dst(%dma_wait3A_40 : memref<6272xf32, #tpu.memory_space<hbm>>)
        tpu.yield
      }) : () -> ()
    } else {
    }
    %eq3A_27 = arith.constant 15 : i32
    %eq3A_28 = arith.cmpi eq, %arg1, %eq3A_27 : i32
    %convert_element_type3A_29 = arith.extui %eq3A_28 : i1 to i32
    %cond3A_30 = arith.constant 0 : i32
    %cond3A_31 = arith.cmpi ne, %convert_element_type3A_29, %cond3A_30 : i32
    scf.if %cond3A_31 {
      %mul3A_32 = arith.constant 100000 : i32
      %mul3A_33 = arith.muli %arg0, %mul3A_32 : i32
      %add3A_34 = arith.constant 94080 : i32
      %add3A_35 = arith.addi %mul3A_33, %add3A_34 : i32
      "tpu.region"() ({
        %run_scoped3A = tpu.sem_alloc : memref<!tpu.dma_semaphore, #tpu.memory_space<semaphore_mem>>
        %dma_start3A_38 = arith.constant 0 : i32
        %dma_start3A_39 = tpu.memref_slice %arg7[%dma_start3A_38] : memref<6272xf32, #tpu.memory_space<vmem>> -> memref<5920xf32, #tpu.memory_space<vmem>>
        %dma_start3A_40 = tpu.memref_slice %arg3[%add3A_35] : memref<200000xf32, #tpu.memory_space<hbm>> -> memref<5920xf32, #tpu.memory_space<hbm>>
        %dma_start3A_41 = tpu.memref_slice %arg3[%add3A_35] : memref<200000xf32, #tpu.memory_space<hbm>> -> memref<5920xf32, #tpu.memory_space<hbm>>
        %dma_start3A_42 = arith.constant 0 : i32
        %dma_start3A_43 = tpu.memref_slice %arg7[%dma_start3A_42] : memref<6272xf32, #tpu.memory_space<vmem>> -> memref<5920xf32, #tpu.memory_space<vmem>>
        tpu.enqueue_dma source(%dma_start3A_43 : memref<5920xf32, #tpu.memory_space<vmem>>) target(%dma_start3A_41 : memref<5920xf32, #tpu.memory_space<hbm>>) target_semaphore(%run_scoped3A : memref<!tpu.dma_semaphore, #tpu.memory_space<semaphore_mem>>)
        %dma_wait3A_44 = arith.constant 0 : i32
        %dma_wait3A_45 = tpu.memref_slice %arg7[%dma_wait3A_44] : memref<6272xf32, #tpu.memory_space<vmem>> -> memref<5920xf32, #tpu.memory_space<vmem>>
        %dma_wait3A_46 = tpu.memref_slice %arg3[%add3A_35] : memref<200000xf32, #tpu.memory_space<hbm>> -> memref<5920xf32, #tpu.memory_space<hbm>>
        %dma_wait3A_47 = tpu.memref_slice %arg3[%add3A_35] : memref<200000xf32, #tpu.memory_space<hbm>> -> memref<5920xf32, #tpu.memory_space<hbm>>
        %dma_wait3A_48 = arith.constant 0 : i32
        %dma_wait3A_49 = tpu.memref_slice %arg7[%dma_wait3A_48] : memref<6272xf32, #tpu.memory_space<vmem>> -> memref<5920xf32, #tpu.memory_space<vmem>>
        tpu.wait_dma2 semaphore(%run_scoped3A : memref<!tpu.dma_semaphore, #tpu.memory_space<semaphore_mem>>) src(%dma_wait3A_49 : memref<5920xf32, #tpu.memory_space<vmem>>) dst(%dma_wait3A_47 : memref<5920xf32, #tpu.memory_space<hbm>>)
        tpu.yield
      }) : () -> ()
      %mul3A_36 = arith.constant 352 : i32
      %mul3A_37 = arith.muli %arg0, %mul3A_36 : i32
      "tpu.region"() ({
        %run_scoped3A = tpu.sem_alloc : memref<!tpu.dma_semaphore, #tpu.memory_space<semaphore_mem>>
        %dma_start3A_38 = arith.constant 5920 : i32
        %dma_start3A_39 = tpu.memref_slice %arg7[%dma_start3A_38] : memref<6272xf32, #tpu.memory_space<vmem>> -> memref<352xf32, #tpu.memory_space<vmem>>
        %dma_start3A_40 = tpu.memref_slice %arg4[%mul3A_37] : memref<704xf32, #tpu.memory_space<hbm>> -> memref<352xf32, #tpu.memory_space<hbm>>
        %dma_start3A_41 = tpu.memref_slice %arg4[%mul3A_37] : memref<704xf32, #tpu.memory_space<hbm>> -> memref<352xf32, #tpu.memory_space<hbm>>
        %dma_start3A_42 = arith.constant 5920 : i32
        %dma_start3A_43 = tpu.memref_slice %arg7[%dma_start3A_42] : memref<6272xf32, #tpu.memory_space<vmem>> -> memref<352xf32, #tpu.memory_space<vmem>>
        tpu.enqueue_dma source(%dma_start3A_43 : memref<352xf32, #tpu.memory_space<vmem>>) target(%dma_start3A_41 : memref<352xf32, #tpu.memory_space<hbm>>) target_semaphore(%run_scoped3A : memref<!tpu.dma_semaphore, #tpu.memory_space<semaphore_mem>>)
        %dma_wait3A_44 = arith.constant 5920 : i32
        %dma_wait3A_45 = tpu.memref_slice %arg7[%dma_wait3A_44] : memref<6272xf32, #tpu.memory_space<vmem>> -> memref<352xf32, #tpu.memory_space<vmem>>
        %dma_wait3A_46 = tpu.memref_slice %arg4[%mul3A_37] : memref<704xf32, #tpu.memory_space<hbm>> -> memref<352xf32, #tpu.memory_space<hbm>>
        %dma_wait3A_47 = tpu.memref_slice %arg4[%mul3A_37] : memref<704xf32, #tpu.memory_space<hbm>> -> memref<352xf32, #tpu.memory_space<hbm>>
        %dma_wait3A_48 = arith.constant 5920 : i32
        %dma_wait3A_49 = tpu.memref_slice %arg7[%dma_wait3A_48] : memref<6272xf32, #tpu.memory_space<vmem>> -> memref<352xf32, #tpu.memory_space<vmem>>
        tpu.wait_dma2 semaphore(%run_scoped3A : memref<!tpu.dma_semaphore, #tpu.memory_space<semaphore_mem>>) src(%dma_wait3A_49 : memref<352xf32, #tpu.memory_space<vmem>>) dst(%dma_wait3A_47 : memref<352xf32, #tpu.memory_space<hbm>>)
        tpu.yield
      }) : () -> ()
    } else {
    }
    return
  }
}

module attributes {stable_mosaic.version = 14 : i64} {
  func.func @_matvec_body(%arg0: i32, %arg1: memref<1x1x8x2500xf32, #tpu.memory_space<vmem>>, %arg2: memref<1x1x8x2500xf32, #tpu.memory_space<vmem>>, %arg3: memref<20000x128xf32, #tpu.memory_space<vmem>>, %arg4: memref<1x128xf32, #tpu.memory_space<vmem>>) attributes {dimension_semantics = [#tpu.dimension_semantics<arbitrary>], iteration_bounds = array<i64: 5>, scalar_prefetch = 0 : i64, scratch_operands = 0 : i64, tpu.core_type = #tpu.core_type<tc>, window_params = [{transform_indices = @transform_0, window_bounds = array<i64: 1, 1, 8, 2500>}, {transform_indices = @transform_1, window_bounds = array<i64: 1, 1, 8, 2500>}, {transform_indices = @transform_2, window_bounds = array<i64: 20000, 128>}, {pipeline_mode = #tpu.pipeline_mode<synchronous>, transform_indices = @transform_3, window_bounds = array<i64: 1, 128>}]} {
    %eq3A = arith.constant 0 : i32
    %eq3A_0 = arith.cmpi eq, %arg0, %eq3A : i32
    %convert_element_type3A = arith.extui %eq3A_0 : i1 to i32
    %cond3A = arith.constant 0 : i32
    %cond3A_1 = arith.cmpi ne, %convert_element_type3A, %cond3A : i32
    scf.if %cond3A_1 {
      %broadcast_in_dim3A = arith.constant 0.000000e+00 : f32
      %broadcast_in_dim3A_77 = vector.broadcast %broadcast_in_dim3A : f32 to vector<1x128xf32>
      %swap3A_78 = arith.constant 0 : index
      %swap3A_79 = arith.constant 0 : index
      %swap3A_80 = vector.load %arg4[%swap3A_78, %swap3A_79] : memref<1x128xf32, #tpu.memory_space<vmem>>, vector<1x128xf32>
      tpu.vector_store %arg4[%swap3A_78, %swap3A_79], %broadcast_in_dim3A_77 {strides = array<i32>} : memref<1x128xf32, #tpu.memory_space<vmem>>, vector<1x128xf32>,
    } else {
    }
    %get3A = arith.constant 0 : index
    %get3A_2 = arith.constant 0 : index
    %get3A_3 = arith.constant 0 : index
    %get3A_4 = arith.constant 0 : index
    %get3A_5 = vector.load %arg1[%get3A, %get3A_2, %get3A_3, %get3A_4] : memref<1x1x8x2500xf32, #tpu.memory_space<vmem>>, vector<1x1x8x2500xf32>
    %get3A_6 = vector.shape_cast %get3A_5 : vector<1x1x8x2500xf32> to vector<8x2500xf32>
    %get3A_7 = arith.constant 0 : index
    %get3A_8 = arith.constant 0 : index
    %get3A_9 = arith.constant 0 : index
    %get3A_10 = arith.constant 0 : index
    %get3A_11 = vector.load %arg2[%get3A_7, %get3A_8, %get3A_9, %get3A_10] : memref<1x1x8x2500xf32, #tpu.memory_space<vmem>>, vector<1x1x8x2500xf32>
    %get3A_12 = vector.shape_cast %get3A_11 : vector<1x1x8x2500xf32> to vector<8x2500xf32>
    %add3A = arith.addf %get3A_6, %get3A_12 : vector<8x2500xf32>
    %get3A_13 = arith.constant 0 : index
    %get3A_14 = arith.constant 0 : index
    %get3A_15 = vector.load %arg4[%get3A_13, %get3A_14] : memref<1x128xf32, #tpu.memory_space<vmem>>, vector<1x128xf32>
    %slice3A = vector.extract_strided_slice %add3A {offsets = [0, 0], sizes = [1, 2500], strides = [1, 1]} : vector<8x2500xf32> to vector<1x2500xf32>
    %get3A_16 = arith.constant 0 : index
    %get3A_17 = arith.constant 0 : index
    %get3A_18 = vector.load %arg3[%get3A_16, %get3A_17] : memref<20000x128xf32, #tpu.memory_space<vmem>>, vector<2500x128xf32>
    %dot_general3A = arith.constant dense<0.000000e+00> : vector<1x128xf32>
    %dot_general3A_19 = tpu.matmul %slice3A, %get3A_18, %dot_general3A {dimension_numbers = #tpu.dot_dimension_numbers<[1], [0], [0], [1], [0, 0, 1, 1], [], []>, transpose_lhs_hint = false} : vector<1x2500xf32>, vector<2500x128xf32>, vector<1x128xf32> -> vector<1x128xf32>
    %add3A_20 = arith.addf %get3A_15, %dot_general3A_19 : vector<1x128xf32>
    %slice3A_21 = vector.extract_strided_slice %add3A {offsets = [1, 0], sizes = [1, 2500], strides = [1, 1]} : vector<8x2500xf32> to vector<1x2500xf32>
    %get3A_22 = arith.constant 2500 : index
    %get3A_23 = arith.constant 0 : index
    %get3A_24 = vector.load %arg3[%get3A_22, %get3A_23] : memref<20000x128xf32, #tpu.memory_space<vmem>>, vector<2500x128xf32>
    %dot_general3A_25 = arith.constant dense<0.000000e+00> : vector<1x128xf32>
    %dot_general3A_26 = tpu.matmul %slice3A_21, %get3A_24, %dot_general3A_25 {dimension_numbers = #tpu.dot_dimension_numbers<[1], [0], [0], [1], [0, 0, 1, 1], [], []>, transpose_lhs_hint = false} : vector<1x2500xf32>, vector<2500x128xf32>, vector<1x128xf32> -> vector<1x128xf32>
    %add3A_27 = arith.addf %add3A_20, %dot_general3A_26 : vector<1x128xf32>
    %slice3A_28 = vector.extract_strided_slice %add3A {offsets = [2, 0], sizes = [1, 2500], strides = [1, 1]} : vector<8x2500xf32> to vector<1x2500xf32>
    %get3A_29 = arith.constant 5000 : index
    %get3A_30 = arith.constant 0 : index
    %get3A_31 = vector.load %arg3[%get3A_29, %get3A_30] : memref<20000x128xf32, #tpu.memory_space<vmem>>, vector<2500x128xf32>
    %dot_general3A_32 = arith.constant dense<0.000000e+00> : vector<1x128xf32>
    %dot_general3A_33 = tpu.matmul %slice3A_28, %get3A_31, %dot_general3A_32 {dimension_numbers = #tpu.dot_dimension_numbers<[1], [0], [0], [1], [0, 0, 1, 1], [], []>, transpose_lhs_hint = false} : vector<1x2500xf32>, vector<2500x128xf32>, vector<1x128xf32> -> vector<1x128xf32>
    %add3A_34 = arith.addf %add3A_27, %dot_general3A_33 : vector<1x128xf32>
    %slice3A_35 = vector.extract_strided_slice %add3A {offsets = [3, 0], sizes = [1, 2500], strides = [1, 1]} : vector<8x2500xf32> to vector<1x2500xf32>
    %get3A_36 = arith.constant 7500 : index
    %get3A_37 = arith.constant 0 : index
    %get3A_38 = vector.load %arg3[%get3A_36, %get3A_37] : memref<20000x128xf32, #tpu.memory_space<vmem>>, vector<2500x128xf32>
    %dot_general3A_39 = arith.constant dense<0.000000e+00> : vector<1x128xf32>
    %dot_general3A_40 = tpu.matmul %slice3A_35, %get3A_38, %dot_general3A_39 {dimension_numbers = #tpu.dot_dimension_numbers<[1], [0], [0], [1], [0, 0, 1, 1], [], []>, transpose_lhs_hint = false} : vector<1x2500xf32>, vector<2500x128xf32>, vector<1x128xf32> -> vector<1x128xf32>
    %add3A_41 = arith.addf %add3A_34, %dot_general3A_40 : vector<1x128xf32>
    %slice3A_42 = vector.extract_strided_slice %add3A {offsets = [4, 0], sizes = [1, 2500], strides = [1, 1]} : vector<8x2500xf32> to vector<1x2500xf32>
    %get3A_43 = arith.constant 10000 : index
    %get3A_44 = arith.constant 0 : index
    %get3A_45 = vector.load %arg3[%get3A_43, %get3A_44] : memref<20000x128xf32, #tpu.memory_space<vmem>>, vector<2500x128xf32>
    %dot_general3A_46 = arith.constant dense<0.000000e+00> : vector<1x128xf32>
    %dot_general3A_47 = tpu.matmul %slice3A_42, %get3A_45, %dot_general3A_46 {dimension_numbers = #tpu.dot_dimension_numbers<[1], [0], [0], [1], [0, 0, 1, 1], [], []>, transpose_lhs_hint = false} : vector<1x2500xf32>, vector<2500x128xf32>, vector<1x128xf32> -> vector<1x128xf32>
    %add3A_48 = arith.addf %add3A_41, %dot_general3A_47 : vector<1x128xf32>
    %slice3A_49 = vector.extract_strided_slice %add3A {offsets = [5, 0], sizes = [1, 2500], strides = [1, 1]} : vector<8x2500xf32> to vector<1x2500xf32>
    %get3A_50 = arith.constant 12500 : index
    %get3A_51 = arith.constant 0 : index
    %get3A_52 = vector.load %arg3[%get3A_50, %get3A_51] : memref<20000x128xf32, #tpu.memory_space<vmem>>, vector<2500x128xf32>
    %dot_general3A_53 = arith.constant dense<0.000000e+00> : vector<1x128xf32>
    %dot_general3A_54 = tpu.matmul %slice3A_49, %get3A_52, %dot_general3A_53 {dimension_numbers = #tpu.dot_dimension_numbers<[1], [0], [0], [1], [0, 0, 1, 1], [], []>, transpose_lhs_hint = false} : vector<1x2500xf32>, vector<2500x128xf32>, vector<1x128xf32> -> vector<1x128xf32>
    %add3A_55 = arith.addf %add3A_48, %dot_general3A_54 : vector<1x128xf32>
    %slice3A_56 = vector.extract_strided_slice %add3A {offsets = [6, 0], sizes = [1, 2500], strides = [1, 1]} : vector<8x2500xf32> to vector<1x2500xf32>
    %get3A_57 = arith.constant 15000 : index
    %get3A_58 = arith.constant 0 : index
    %get3A_59 = vector.load %arg3[%get3A_57, %get3A_58] : memref<20000x128xf32, #tpu.memory_space<vmem>>, vector<2500x128xf32>
    %dot_general3A_60 = arith.constant dense<0.000000e+00> : vector<1x128xf32>
    %dot_general3A_61 = tpu.matmul %slice3A_56, %get3A_59, %dot_general3A_60 {dimension_numbers = #tpu.dot_dimension_numbers<[1], [0], [0], [1], [0, 0, 1, 1], [], []>, transpose_lhs_hint = false} : vector<1x2500xf32>, vector<2500x128xf32>, vector<1x128xf32> -> vector<1x128xf32>
    %add3A_62 = arith.addf %add3A_55, %dot_general3A_61 : vector<1x128xf32>
    %slice3A_63 = vector.extract_strided_slice %add3A {offsets = [7, 0], sizes = [1, 2500], strides = [1, 1]} : vector<8x2500xf32> to vector<1x2500xf32>
    %get3A_64 = arith.constant 17500 : index
    %get3A_65 = arith.constant 0 : index
    %get3A_66 = vector.load %arg3[%get3A_64, %get3A_65] : memref<20000x128xf32, #tpu.memory_space<vmem>>, vector<2500x128xf32>
    %dot_general3A_67 = arith.constant dense<0.000000e+00> : vector<1x128xf32>
    %dot_general3A_68 = tpu.matmul %slice3A_63, %get3A_66, %dot_general3A_67 {dimension_numbers = #tpu.dot_dimension_numbers<[1], [0], [0], [1], [0, 0, 1, 1], [], []>, transpose_lhs_hint = false} : vector<1x2500xf32>, vector<2500x128xf32>, vector<1x128xf32> -> vector<1x128xf32>
    %add3A_69 = arith.addf %add3A_62, %dot_general3A_68 : vector<1x128xf32>
    %swap3A = arith.constant 0 : index
    %swap3A_70 = arith.constant 0 : index
    %swap3A_71 = vector.load %arg4[%swap3A, %swap3A_70] : memref<1x128xf32, #tpu.memory_space<vmem>>, vector<1x128xf32>
    tpu.vector_store %arg4[%swap3A, %swap3A_70], %add3A_69 {strides = array<i32>} : memref<1x128xf32, #tpu.memory_space<vmem>>, vector<1x128xf32>,
    %eq3A_72 = arith.constant 4 : i32
    %eq3A_73 = arith.cmpi eq, %arg0, %eq3A_72 : i32
    %convert_element_type3A_74 = arith.extui %eq3A_73 : i1 to i32
    %cond3A_75 = arith.constant 0 : i32
    %cond3A_76 = arith.cmpi ne, %convert_element_type3A_74, %cond3A_75 : i32
    scf.if %cond3A_76 {
      %get3A_77 = arith.constant 0 : index
      %get3A_78 = arith.constant 0 : index
      %get3A_79 = vector.load %arg4[%get3A_77, %get3A_78] : memref<1x128xf32, #tpu.memory_space<vmem>>, vector<1x128xf32>
      %mul3A = arith.constant 2.000000e-06 : f32
      %mul3A_80 = vector.broadcast %mul3A : f32 to vector<1x128xf32>
      %mul3A_81 = arith.mulf %get3A_79, %mul3A_80 : vector<1x128xf32>
      %swap3A_82 = arith.constant 0 : index
      %swap3A_83 = arith.constant 0 : index
      %swap3A_84 = vector.load %arg4[%swap3A_82, %swap3A_83] : memref<1x128xf32, #tpu.memory_space<vmem>>, vector<1x128xf32>
      tpu.vector_store %arg4[%swap3A_82, %swap3A_83], %mul3A_81 {strides = array<i32>} : memref<1x128xf32, #tpu.memory_space<vmem>>, vector<1x128xf32>,
    } else {
    }
    return
  }
  func.func @transform_0(%arg0: i32) -> (i32, i32, i32, i32) {
    %c0_i32 = arith.constant 0 : i32
    %c0_i32_0 = arith.constant 0 : i32
    %c0_i32_1 = arith.constant 0 : i32
    %c0_i32_2 = arith.constant 0 : i32
    return %c0_i32, %arg0, %c0_i32_0, %c0_i32_1 : i32, i32, i32, i32
  }
  func.func @transform_1(%arg0: i32) -> (i32, i32, i32, i32) {
    %c1_i32 = arith.constant 1 : i32
    %c0_i32 = arith.constant 0 : i32
    %c0_i32_0 = arith.constant 0 : i32
    %c0_i32_1 = arith.constant 0 : i32
    return %c1_i32, %arg0, %c0_i32, %c0_i32_0 : i32, i32, i32, i32
  }
  func.func @transform_2(%arg0: i32) -> (i32, i32) {
    %c0_i32 = arith.constant 0 : i32
    %c0_i32_0 = arith.constant 0 : i32
    return %arg0, %c0_i32 : i32, i32
  }
  func.func @transform_3(%arg0: i32) -> (i32, i32) {
    %c0_i32 = arith.constant 0 : i32
    %c0_i32_0 = arith.constant 0 : i32
    %c0_i32_1 = arith.constant 0 : i32
    return %c0_i32, %c0_i32_0 : i32, i32
  }
}

</mosaic_0001>

<sc_bundles>
// kernel: kernel.4.cloned.1.call-start
scs
__scs_entry_jumppad:
0x0: {  	(pc) =	sbr.rel $0x88, $3  }
0x1: {  	(tag) =	ssettag $0x0;
	lr =	simm.s32 $0x1  }
0x2: {  	[smem:$0x3F9F] =	sst lr;
	_ =	strace $0xD0000000  }
0x3: {  	_ = 	snop  }
0x4: {  	_ = 	snop  }
0x5: {  	_ = 	snop  }
0x6: {  	_ = 	snop  }
0x7: {  	_ = 	snop  }
__scs_overlays_trampoline_lowered:
0x8: {  	[smem:$0x3FAE] =	sst s0  }
0x9: {  	[smem:$0x3FAF] =	sst s1  }
0xa: {  	[smem:$0x3FB0] =	sst s2  }
0xb: {  	[smem:$0x3FB1] =	sst s3  }
0xc: {  	[smem:$0x3FB2] =	sst s4  }
0xd: {  	[smem:$0x3FB3] =	sst s5  }
0xe: {  	[smem:$0x3FB4] =	sst s6  }
0xf: {  	[smem:$0x3FB5] =	sst s7  }
0x10: {  	[smem:$0x3FB6] =	sst s8  }
0x11: {  	[smem:$0x3FB7] =	sst s9;
	s0 =	simm.s32 @!p0 $0x0  }
0x12: {  	s1 =	sld [smem:$0x3F9D];
	s0 =	simm.s32 @p0 $0x1  }
0x13: {  	[smem:$0x3FB8] =	sst s0;
	s0 =	simm.s32 @!p1 $0x0  }
0x14: {  	s2 =	sld [smem:$0x3F9C];
	s0 =	simm.s32 @p1 $0x1  }
0x15: {  	[smem:$0x3FB9] =	sst s0;
	s0 =	simm.s32 @!p2 $0x0  }
0x16: {  	s3 =	sld [smem:$0x3FDB];
	s0 =	simm.s32 @p2 $0x1  }
0x17: {  	s4 =	simm.s32 $0x1BF5;
	[smem:$0x3FBB] =	sst s0  }
0x18: {  	s0 =	sld [smem:$0x3F9E];
	_ =	swait.ge [sflag:s4], $0x0  }
0x19: {  	s7 =	sld [smem:$0x3F9F]  }
0x1a: {  	s8 =	sadd.s32 $0xFFFFE003, lr  }
0x1b: {  	s9 =	sadd.s32 $0xFFFFFEF7, lr;
	s5 =	simm.s32 $0xFFFFFFFF;
	p2 =	slt.u32 s8, $0xFFFFF086  }
0x1c: {  	p1 =	slt.u32 s9, $0xF7A;
	s5 =	simm.s32 @!p2 $0x0  }
0x1d: {  	s5 =	simm.s32 @p1 $0x1;
	p0 =	seq.s32 s7, s2  }
0x1e: {  	s7 =	smul.u32 @!p0 $0xF7A, s2;
	p2 =	seq.s32 @!p0 s5, $0x0  }
0x1f: {  	s9 =	smul.u32 $0xF7A, s1;
	s8 =	simm.s32 @!p0 $0x1BF5;
	p2 =	por !p2, p0  }
0x20: {  	[sflag:s8] =	ssyncset.s32 @!p0 $0xFFFFF086;
	s6 =	sadd.s32 @!p0 s3, s7;
	s7 =	simm.s32 @!p0 $0x108  }
0x21: {  	s3 =	sadd.s32 s3, s9;
	s6 =	sadd.s32 @!p0 $0x88, s6;
	s7 =	simm.s32 @p2 $0x1082  }
0x22: {  	[simem:s7], [sflag:s8] =	dma.local @!p0 [hbm:s6], $0xF7A  }
0x23: {  	s9 =	sor.u32 $0xD0000000, s2;
	s6 =	simm.s32 $0x108;
	_ =	swait.ge @!p0 [sflag:s8], $0x0  }
0x24: {  	s3 =	sadd.s32 $0x88, s3;
	s6 =	simm.s32 @!p1 $0x1082;
	[sflag:s4] =	ssyncset.s32 $0xFFFFF086  }
0x25: {  	[simem:s6], [sflag:s4] =	dma.local [hbm:s3], $0xF7A  }
0x26: {  	[smem:$0x3F9F] =	sst s1;
	(tag) =	ssettag s2;
	_ =	strace s9  }
0x27: {  	s1 =	sld [smem:$0x3FAF]  }
0x28: {  	s2 =	sld [smem:$0x3FB0]  }
0x29: {  	s4 =	sld [smem:$0x3FB2]  }
0x2a: {  	p0 =	seq.s32 s5, $0x0;
	s5 =	sld [smem:$0x3FB3]  }
0x2b: {  	s6 =	sld [smem:$0x3FB4]  }
0x2c: {  	s7 =	sld [smem:$0x3FB5]  }
0x2d: {  	s3 =	simm.s32 $0x108;
	s8 =	sld [smem:$0x3FB6]  }
0x2e: {  	s3 =	simm.s32 @!p0 $0x1082;
	s9 =	sld [smem:$0x3FB7]  }
0x2f: {  	lr =	sadd.s32 s0, s3;
	s0 =	sld [smem:$0x3FAE]  }
0x30: {  	s3 =	sld [smem:$0x3FB1]  }
0x31: {  	[smem:$0x3FBA] =	sst s10  }
0x32: {  	s10 =	sld [smem:$0x3FB8];
	_ =	sdelay $0x3  }
0x33: {  	p0 =	seq.s32 s10, $0x1;
	s10 =	sld [smem:$0x3FBA];
	_ =	sdelay $0x3  }
0x34: {  	[smem:$0x3FBA] =	sst s10  }
0x35: {  	s10 =	sld [smem:$0x3FB9];
	_ =	sdelay $0x3  }
0x36: {  	p1 =	seq.s32 s10, $0x1;
	s10 =	sld [smem:$0x3FBA];
	_ =	sdelay $0x3  }
0x37: {  	[smem:$0x3FBA] =	sst s10  }
0x38: {  	s10 =	sld [smem:$0x3FBB]  }
0x39: {  	_ = 	snop;
	(pc) =	sbr.ind lr, $3  }
0x3a: {  	_ = 	snop  }
0x3b: {  	_ = 	snop  }
0x3c: {  	p2 =	seq.s32 s10, $0x1;
	s10 =	sld [smem:$0x3FBA]  }
0x3d: {  	_ =	shalt  }
0x3e: {  	_ =	shalt  }
0x3f: {  	_ =	shalt  }
0x40: {  	_ =	shalt  }
0x41: {  	_ =	shalt  }
0x42: {  	_ =	shalt  }
0x43: {  	_ =	shalt  }
0x44: {  	_ =	shalt  }
0x45: {  	_ =	shalt  }
0x46: {  	_ =	shalt  }
0x47: {  	_ =	shalt  }
0x48: {  	_ =	shalt  }
0x49: {  	_ =	shalt  }
0x4a: {  	_ =	shalt  }
0x4b: {  	_ =	shalt  }
0x4c: {  	_ =	shalt  }
0x4d: {  	_ =	shalt  }
0x4e: {  	_ =	shalt  }
0x4f: {  	_ =	shalt  }
0x50: {  	_ =	shalt  }
0x51: {  	_ =	shalt  }
0x52: {  	_ =	shalt  }
0x53: {  	_ =	shalt  }
0x54: {  	_ =	shalt  }
0x55: {  	_ =	shalt  }
0x56: {  	_ =	shalt  }
0x57: {  	_ =	shalt  }
0x58: {  	_ =	shalt  }
0x59: {  	_ =	shalt  }
0x5a: {  	_ =	shalt  }
0x5b: {  	_ =	shalt  }
0x5c: {  	_ =	shalt  }
0x5d: {  	_ =	shalt  }
0x5e: {  	_ =	shalt  }
0x5f: {  	_ =	shalt  }
0x60: {  	_ =	shalt  }
0x61: {  	_ =	shalt  }
0x62: {  	_ =	shalt  }
0x63: {  	_ =	shalt  }
0x64: {  	_ =	shalt  }
0x65: {  	_ =	shalt  }
0x66: {  	_ =	shalt  }
0x67: {  	_ =	shalt  }
0x68: {  	_ =	shalt  }
0x69: {  	_ =	shalt  }
0x6a: {  	_ =	shalt  }
0x6b: {  	_ =	shalt  }
0x6c: {  	_ =	shalt  }
0x6d: {  	_ =	shalt  }
0x6e: {  	_ =	shalt  }
0x6f: {  	_ =	shalt  }
0x70: {  	_ =	shalt  }
0x71: {  	_ =	shalt  }
0x72: {  	_ =	shalt  }
0x73: {  	_ =	shalt  }
0x74: {  	_ =	shalt  }
0x75: {  	_ =	shalt  }
0x76: {  	_ =	shalt  }
0x77: {  	_ =	shalt  }
0x78: {  	_ =	shalt  }
0x79: {  	_ =	shalt  }
0x7a: {  	_ =	shalt  }
0x7b: {  	_ =	shalt  }
0x7c: {  	_ =	shalt  }
0x7d: {  	_ =	shalt  }
0x7e: {  	_ =	shalt  }
0x7f: {  	_ =	shalt  }
0x80: {  	_ =	shalt  }
0x81: {  	_ =	shalt  }
0x82: {  	_ =	shalt  }
0x83: {  	_ =	shalt  }
0x84: {  	_ =	shalt  }
0x85: {  	_ =	shalt  }
0x86: {  	_ =	shalt  }
0x87: {  	_ =	shalt  }
.Lfunc_end0:
.L_simem_size_0:
called_computation_lowered:
.L_overlay_start_0:
0x88: {  	s2 =	sld [smem:$0x3FD9]  }
0x89: {  	s3 =	sld [smem:$0x3FFE];
	_ =	sdelay $0x1  }
0x8a: {  	s1 =	srdreg.scid  }
0x8b: {  	s0 =	sand.u32 $0x1, s1  }
0x8c: {  	s17 =	sshll.u32 s0, $0xA;
	s2 =	sadd.s32 s3, s2  }
0x8d: {  	s2 =	sadd.s32 s2, s17  }
0x8e: {  	[smem:$0x3FC6] =	sst s2  }
0x8f: {  	_ = 	snop  }
0x90: {  	s2 =	sld [smem:$0x3FC9];
	(tm) =	ssettm $0x1  }
0x91: {  	s18 =	sld [smem:$0x3FFB];
	_ =	sdelay $0x3  }
0x92: {  	_ =	strace s18  }
0x93: {  	s3 =	sld [smem:$0x3FFC];
	_ =	sdelay $0x3  }
0x94: {  	_ =	strace s3  }
0x95: {  	s3 =	sld [smem:$0x3FFD];
	_ =	sdelay $0x3  }
0x96: {  	_ =	strace s3  }
0x97: {  	_ =	strace $0x8FFFFFFF  }
0x98: {  	s19 =	sld [smem:$0x3FDB];
	_ =	sdelay $0x1  }
0x99: {  	s4 =	simm.s32 $_scs_section_size  }
0x9a: {  	s5 =	simm.s32 $_size__tile_overlayer_lowered;
	s6 =	simm.s32 $_tile_overlayer_lowered  }
0x9b: {  	s22 =	simm.s32 $0x1BFF;
	s21 =	sshll.u32 s6, $0x1;
	s3 =	sadd.s32 s4, s19  }
0x9c: {  	s7 =	simm.s32 $0x0;
	s20 =	sshll.u32 s5, $0x1;
	s5 =	sadd.s32 s21, s3  }
0x9d: {  	[timem:s7], [sflag:s22] =	dma.local [hbm:s5], s20  }
0x9e: {  	_ =	swait.ge [sflag:s22], s20  }
0x9f: {  	s4 =	ssub.s32 $0x0, s20;
	[sflag:s22] =	ssyncset.done $0x0  }
0xa0: {  	[sflag:s22] =	ssyncadd.s32 s4;
	_ =	sdelay $0x1  }
0xa1: {  	s23 =	simm.s32 $0x1B8B  }
0xa2: {  	_ =	swait.ge [sflag:s23], $0x1  }
0xa3: {  	[sflag:s23] =	ssyncset.done $0x0  }
0xa4: {  	s25 =	simm.s32 $0x1B8E;
	s24 =	sld [smem:$0x3FFE];
	[sflag:s23] =	ssyncadd.s32 $0xFFFFFFFF  }
0xa5: {  	s26 =	simm.s32 $execute0_lowered;
	[smem:$0x3FD2] =	sst s25  }
0xa6: {  	s5 =	sshll.u32 s26, $0x1;
	_ =	strace $0x80000046;
	[dreg:$0x1] =	wrdreg $0xFFFFFFFF  }
0xa7: {  	s28 =	simm.s32 $_size_execute0_lowered;
	s3 =	sadd.s32 s3, s5;
	[dreg:$0x0] =	wrdreg $0x0  }
0xa8: {  	s5 =	sshll.u32 s28, $0x1;
	[dreg:$0x2] =	wrdreg s3  }
0xa9: {  	[dreg:$0x3] =	wrdreg s5  }
0xaa: {  	[dreg:$0x4] =	wrdreg $0xC0  }
0xab: {  	_ =	task [dreg:s7], $0x5FFFF  }
0xac: {  	[dreg:$0x1] =	wrdreg $0xFFFFFFFF  }
0xad: {  	[dreg:$0x0] =	wrdreg $0x60  }
0xae: {  	[dreg:$0x2] =	wrdreg s2  }
0xaf: {  	[dreg:$0x3] =	wrdreg s24  }
0xb0: {  	[dreg:$0x4] =	wrdreg $0x93800  }
0xb1: {  	[dreg:$0x5] =	wrdreg $0x9  }
0xb2: {  	_ =	task.clear_ibuf [dreg:s7], $0x6FFFF;
	_ =	strace $0x90000046  }
0xb3: {  	s29 =	simm.s32 $0x9;
	_ =	strace $0x80000048  }
0xb4: {  	_ =	swait.ge [sflag:s29], $0x1  }
0xb5: {  	[sflag:s29] =	ssyncadd.s32 $0xFFFFFFFF  }
0xb6: {  	_ =	strace $0x90000048  }
0xb7: {  	_ =	sfence  }
0xb8: {  	s30 =	sld [smem:$0x0];
	_ =	sdelay $0x2  }
0xb9: {  	s31 =	sshll.u32 s1, $0xD;
	s1 =	sshrl.u32 s1, $0x2  }
0xba: {  	s3 =	sand.u32 $0x4000, s31;
	s1 =	sadd.s32 s1, s30  }
0xbb: {  	s0 =	sor.u32 s3, s0;
	s1 =	sshll.u32 s1, $0x11  }
0xbc: {  	s0 =	sor.u32 s1, s0  }
0xbd: {  	s0 =	sadd.s32 $0x8F2B, s0  }
0xbe: {  	[sflag:s0] =	ssyncadd.remote.s32 $0x1  }
0xbf: {  	_ =	sfence.sel $0xFFFF  }
0xc0: {  	[dreg:$0x0] =	wrdreg $0xFFFFFFFF;
	(pc) =	sbr.abs _section_cstart, $3  }
0xc1: {  	[dreg:$0x1] =	wrdreg $0xFFFFFFFF  }
0xc2: {  	_ =	task.clear_ibuf [dreg:s7], $0x2FFFF;
	_ =	strace $0x9FFFFFFF  }
0xc3: {  	(tm) =	ssettm $0x7FFFFFFF  }
tec
execute0_lowered:
.L_overlay_start_1:
0x0: {  	(tag) =	ssettag $0x1  }
0x1: {  	s6 =	rddreg [dreg:$0x0]  }
0x2: {  	s4 =	rddreg [dreg:$0x1]  }
0x3: {  	s2 =	rddreg [dreg:$0x2];
	s3 =	srdreg.scid  }
0x4: {  	s1 =	stileid.u32;
	s0 =	rddreg [dreg:$0x3];
	s16 =	simm.s32 $0x0  }
0x5: {  	s5 =	sand.u32 $0x1, s3;
	s7 =	sshll.u32 s1, $0x1;
	s10 =	smul.u32 $0x1880, s1  }
0x6: {  	s3 =	simm.s32 $0x0;
	s12 =	sadd.s32 $0xA00, s4;
	s8 =	smul.u32 $0x2C, s5  }
0x7: {  	p1 =	seq.s32 s1, $0xF;
	s11 =	sor.u32 s5, s7;
	s14 =	smul.u32 $0x186A0, s5  }
0x8: {  	[smem:$0x7FF] =	sst s3;
	s9 =	ssub.s32 $0x2, s5;
	s7 =	smul.u32 $0x7A1, s11  }
0x9: {  	_ =	strace $0x80000047;
	s13 =	sshrl.u32 s9, $0x1;
	s5 =	sadd.s32 s10, s2  }
0xa: {  	p0 =	sne.s32 s11, $0x1F;
	s11 =	simm.s32 $0x7B00;
	s15 =	sadd.s32 s8, s4  }
0xb: {  	s13 =	ssub.s32 s9, s13;
	s30 =	sadd.s32 s10, s14;
	s31 =	sshrl.u32 s14, $0x3  }
0xc: {  	s14 =	simm.s32 $0x3D08;
	s4 =	sadd.s32 s6, s7;
	s6 =	sadd.s32 $0xF420, s6  }
0xd: {  	s7 =	sshrl.u32 s30, $0x3;
	s8 =	sadd.s32 s12, s31;
	s9 =	sadd.s32 $0x800, s15  }
0xe: {  	s10 =	smax.u32 s13, $0x1;
	s13 =	simm.s32 $0x1;
	s15 =	simm.s32 $0x3D80  }
0xf: {  	v0 =	vimm.f32 $1.000000000e+00;
	v1 =	vimm.f32 $0.0e+00;
	s7 =	sadd.s32 s12, s7;
	s8 =	sadd.s32 $0x2DF0, s8;
	s12 =	simm.s32 $0x2  }
.LBB2_1:
0x10: {  	[tilespmem:s3], [sflag:$0x1] =	stream.linear.gather [hbm4b:s4+s3], $0x3D08, $0x38;
	[tilespmem:$0xAC80] =	vst v63  }
0x11: {  	s17 =	simm.s32 $0x0  }
.LBB2_2:
0x12: {  	p2 =	sne.s32 s17, $0xF400  }
.Ltmp0:
0x13: {  	_ = 	snop;
	(pc) =	sbr.rel @p2 .LBB2_2-.Ltmp0, $3  }
0x14: {  	_ =	sdelay $0x1  }
0x15: {  	s18 =	sshra.s32 s17, $0x2  }
0x16: {  	s17 =	sadd.s32 $0x40, s17;
	[tilespmem:s18+$0x3D80] =	vst v0  }
0x17: {  	s17 =	simm.s32 $0x40;
	s18 =	simm.s32 $0x0  }
.LBB2_4:
0x18: {  	p2 =	sne.s32 s17, $0x61C0;
	[tilespmem:s18+$0x7B00] =	vst v1;
	s18 =	smov.u32 s17;
	s17 =	sadd.s32 $0x40, s17  }
.Ltmp1:
0x19: {  	(pc) =	sbr.rel @p2 .LBB2_4-.Ltmp1, $2  }
0x1a: {  	_ =	sdelay $0x2  }
0x1b: {  	s18 =	sshra.s32 s18, $0x2  }
0x1c: {  	[tilespmem:s18+$0x7B00] =	vst v1  }
0x1d: {  	[spmem:s5] =	stream.linear.scatter [tilespmem:s11], [sflag:$0x2], $0x1880, $0x38;
	[tilespmem:$0xAC80] =	vst v63  }
0x1e: {  	_ =	swait.ge [sflag:s12], $0x1880  }
0x1f: {  	[sflag:s12] =	ssyncset.done $0x0  }
0x20: {  	[sflag:s12] =	ssyncadd.s32 $0xFFFFE780  }
0x21: {  	[bflag:$0x0] =	sbarrier.arrive $0xFFFF  }
0x22: {  	_ =	swait.ge [sflag:s13], $0x3D08  }
0x23: {  	[sflag:s13] =	ssyncset.done $0x0  }
0x24: {  	[sflag:s13] =	ssyncadd.s32 $0xFFFFC2F8  }
0x25: {  	[spmem:s2] =	stream.indirect.scatter.add.f32 [tilespmem:s15], [sflag:$0x2], $0x1, s3, s14, $0xb8;
	[tilespmem:$0xAC80] =	vst v63  }
0x26: {  	_ =	swait.ge [sflag:s12], $0x3D08  }
0x27: {  	[sflag:s12] =	ssyncset.done $0x0  }
0x28: {  	s17 =	simm.s32 @!p0 $0x0;
	s18 =	simm.s32 @!p0 $0xAC00;
	[sflag:s12] =	ssyncadd.s32 $0xFFFFC2F8  }
0x29: {  	[tilespmem:s18], [sflag:$0x2] =	stream.linear.gather @!p0 [hbm4b:s6+s17], $0x20, $0x38;
	[tilespmem:$0xAC80] =	vst v63  }
0x2a: {  	s17 =	simm.s32 @!p0 $0x2  }
0x2b: {  	_ =	swait.ge @!p0 [sflag:s17], $0x20  }
0x2c: {  	[sflag:s17] =	ssyncset.done @!p0 $0x0  }
0x2d: {  	s19 =	simm.s32 @!p0 $0x20;
	s20 =	simm.s32 @!p0 $0x3D80;
	[sflag:s17] =	ssyncadd.s32 @!p0 $0xFFFFFFE0  }
0x2e: {  	[spmem:s2] =	stream.indirect.scatter.add.f32 @!p0 [tilespmem:s20], [sflag:$0x2], $0x1, s18, s19, $0xb8;
	[tilespmem:$0xAC80] =	vst v63  }
0x2f: {  	_ =	swait.ge @!p0 [sflag:s17], $0x20  }
0x30: {  	[sflag:s17] =	ssyncset.done @!p0 $0x0  }
0x31: {  	[sflag:s17] =	ssyncadd.s32 @!p0 $0xFFFFFFE0  }
0x32: {  	[bflag:$0x0] =	sbarrier.arrive $0xFFFF  }
0x33: {  	[tilespmem:s11], [sflag:$0x2] =	stream.linear.gather [spmem:s5], $0x1880, $0x38;
	[tilespmem:$0xAC80] =	vst v63  }
0x34: {  	_ =	swait.ge [sflag:s12], $0x1880  }
0x35: {  	[sflag:s12] =	ssyncset.done $0x0  }
0x36: {  	s18 =	simm.s32 @p1 $0x7B00;
	s17 =	simm.s32 @p1 $0x0;
	[sflag:s12] =	ssyncadd.s32 $0xFFFFE780  }
0x37: {  	[hbm4b:s8+s17] =	stream.linear.scatter @p1 [tilespmem:s18], [sflag:$0x2], $0x1720, $0x38;
	[tilespmem:$0xAC80] =	vst v63  }
0x38: {  	s18 =	simm.s32 @p1 $0x2  }
0x39: {  	_ =	swait.ge @p1 [sflag:s18], $0x1720  }
0x3a: {  	[sflag:s18] =	ssyncset.done @p1 $0x0  }
0x3b: {  	s19 =	simm.s32 @p1 $0x9220;
	[sflag:s18] =	ssyncadd.s32 @p1 $0xFFFFE8E0  }
0x3c: {  	[hbm4b:s9+s17] =	stream.linear.scatter @p1 [tilespmem:s19], [sflag:$0x2], $0x160, $0x38;
	[tilespmem:$0xAC80] =	vst v63  }
0x3d: {  	s16 =	sadd.s32 $0x1, s16;
	_ =	swait.ge @p1 [sflag:s18], $0x160  }
0x3e: {  	p2 =	sne.s32 s16, s10;
	[sflag:s18] =	ssyncset.done @p1 $0x0  }
0x3f: {  	s17 =	simm.s32 @!p1 $0x0;
	[sflag:s18] =	ssyncadd.s32 @p1 $0xFFFFFEA0;
	s18 =	simm.s32 @!p1 $0x7B00  }
0x40: {  	[hbm4b:s7+s17] =	stream.linear.scatter @!p1 [tilespmem:s18], [sflag:$0x2], $0x1880, $0x38;
	[tilespmem:$0xAC80] =	vst v63  }
.Ltmp2:
0x41: {  	_ = 	snop;
	(pc) =	sbr.rel @p2 .LBB2_1-.Ltmp2, $4  }
0x42: {  	s17 =	simm.s32 @!p1 $0x2  }
0x43: {  	_ =	swait.ge @!p1 [sflag:s17], $0x1880  }
0x44: {  	[sflag:s17] =	ssyncset.done @!p1 $0x0  }
0x45: {  	[sflag:s17] =	ssyncadd.s32 @!p1 $0xFFFFE780  }
0x46: {  	_ =	sfence.sel $0x180000  }
0x47: {  	[bflag:$0x0] =	sbarrier.arrive $0xFFFF  }
0x48: {  	p0 =	sne.s32 s1, $0x0;
	_ =	strace $0x90000047  }
0x49: {  	s0 =	sadd.s32 @!p0 $0x100000, s0;
	[bflag:$0x2] =	sbarrier.arrive $0xFFFF  }
0x4a: {  	[sflag:s0] =	ssyncadd.tile.s32 @!p0 $0x1;
	_ =	shalt  }
.Lfunc_end2:
_tile_overlayer_lowered:
.L_overlay_start_2:
0x4b: {  	(tag) =	ssettag $0x2  }
0x4c: {  	s0 =	rddreg [dreg:$0x0];
	s2 =	stileid.u32  }
0x4d: {  	s1 =	rddreg [dreg:$0x1];
	p0 =	sne.s32 s2, $0x0  }
0x4e: {  	s3 =	rddreg [dreg:$0x2];
	[bflag:$0x3] =	sbarrier.arrive $0xFFFF;
	s2 =	simm.s32 @!p0 $0x1C02  }
0x4f: {  	[timem:s3], [sflag:s2] =	dma.local @!p0 [hbm:s0], s1  }
0x50: {  	s0 =	simm.s32 @!p0 $0x2  }
0x51: {  	_ =	swait.ge @!p0 [sflag:s0], s1  }
0x52: {  	s1 =	ssub.s32 @!p0 $0x0, s1;
	[sflag:s0] =	ssyncset.done @!p0 $0x0  }
0x53: {  	[sflag:s0] =	ssyncadd.s32 @!p0 s1  }
0x54: {  	[bflag:$0x3] =	sbarrier.arrive $0xFFFF  }
0x55: {  	_ =	shalt  }

</sc_bundles>
